<compile_context>
chip_gen: v7x
topology: tpu7x:2x2x1
jax: 0.10.2.dev20260603
libtpu: 0.0.44.dev20260713+nightly
codegen_flags: <defaults>
</compile_context>

<pallas_src>
import functools

import jax
import jax.numpy as jnp
from jax import lax
from jax.experimental import pallas as pl
from jax.experimental.pallas import tpu as pltpu
from jax.experimental.pallas import tpu_sc as plsc

N = 19
E = 342
D_IN = 1025
HID = 256
OUT = 512

LANES = 16
NCHUNK = (E + LANES - 1) // LANES
E_PAD = NCHUNK * LANES
TAIL = E - (NCHUNK - 1) * LANES
A_COLS = 32


def _sc_build_adjacency(ei_hbm, w_hbm, a_hbm, ei_v, w_v, a_v, sem):
    c1 = pltpu.make_async_copy(ei_hbm, ei_v, sem)
    c2 = pltpu.make_async_copy(w_hbm, w_v, sem)
    c1.start()
    c2.start()
    zero = jnp.zeros((LANES,), jnp.float32)
    for d in range(N):
        a_v[d, pl.ds(0, LANES)] = zero
        a_v[d, pl.ds(LANES, LANES)] = zero
    c1.wait()
    c2.wait()

    def chunk(i, carry):
        off = pl.multiple_of(i * LANES, LANES)
        s = ei_v[0, pl.ds(off, LANES)]
        d = ei_v[1, pl.ds(off, LANES)]
        w = w_v[pl.ds(off, LANES)]
        plsc.addupdate_scatter(a_v, [d, s], w)
        return carry

    lax.fori_loop(0, NCHUNK - 1, chunk, 0)
    lane = lax.iota(jnp.int32, LANES)
    s = ei_v[0, pl.ds(E - LANES, LANES)]
    d = ei_v[1, pl.ds(E - LANES, LANES)]
    w = w_v[pl.ds(E - LANES, LANES)]
    plsc.addupdate_scatter(a_v, [d, s], w, mask=lane >= (LANES - TAIL))
    pltpu.sync_copy(a_v, a_hbm)


def _sc_adjacency_call(edge_index, w):
    run = functools.partial(
        pl.kernel,
        out_type=jax.ShapeDtypeStruct((N, A_COLS), jnp.float32),
        mesh=plsc.VectorSubcoreMesh(core_axis_name="c", subcore_axis_name="s",
                                    num_cores=1, num_subcores=1),
        scratch_types=[
            pltpu.VMEM((2, E), jnp.int32),
            pltpu.VMEM((E,), jnp.float32),
            pltpu.VMEM((N, A_COLS), jnp.float32),
            pltpu.SemaphoreType.DMA,
        ],
        compiler_params=pltpu.CompilerParams(needs_layout_passes=False),
    )(_sc_build_adjacency)
    return run(edge_index, w)


def _tc_first_mm(x_ref, w1a_ref, y_ref):
    y_ref[...] = jnp.dot(x_ref[...], w1a_ref[...],
                         preferred_element_type=jnp.float32)


def _tc_dense(a_ref, y1_ref, b1a_ref, w1b_ref, b1b_ref,
              w2a_ref, b2a_ref, w2b_ref, b2b_ref, wp_ref, bp_ref, out_ref):
    a = lax.slice(a_ref[...], (0, 0), (N, N))
    y1 = y1_ref[...]
    t = jnp.maximum(
        y1 + jnp.dot(a, y1, preferred_element_type=jnp.float32)
        + b1a_ref[...][None, :], 0.0)
    h1 = jnp.maximum(
        jnp.dot(t, w1b_ref[...], preferred_element_type=jnp.float32)
        + b1b_ref[...][None, :], 0.0)
    z2 = h1 + jnp.dot(a, h1, preferred_element_type=jnp.float32)
    u = jnp.maximum(
        jnp.dot(z2, w2a_ref[...], preferred_element_type=jnp.float32)
        + b2a_ref[...][None, :], 0.0)
    h2 = (jnp.dot(u, w2b_ref[...], preferred_element_type=jnp.float32)
          + b2b_ref[...][None, :])
    s = jnp.sum(h2 * wp_ref[...], keepdims=True) + bp_ref[...][None, :]
    out_ref[...] = 1.0 / (1.0 + jnp.exp(-s))


@jax.jit
def kernel(x, edge_index, pred_connectivity,
           W1a, b1a, W1b, b1b, W2a, b2a, W2b, b2b, Wp, bp):
    a = _sc_adjacency_call(edge_index, pred_connectivity)

    y1 = pl.pallas_call(
        _tc_first_mm,
        out_shape=jax.ShapeDtypeStruct((N, HID), jnp.float32),
        compiler_params=pltpu.CompilerParams(skip_device_barrier=True),
    )(x, W1a)

    out = pl.pallas_call(
        _tc_dense,
        out_shape=jax.ShapeDtypeStruct((1, 1), jnp.float32),
        compiler_params=pltpu.CompilerParams(skip_device_barrier=True),
    )(
        a, y1,
        b1a, W1b, b1b,
        W2a, b2a, W2b, b2b,
        Wp.reshape(N, OUT), bp,
    )
    return out.reshape(1)

# --- scband reference (transcript-rebuilt; emitter-appended) ---
"""Pipeline reference for scband-connectivity-classifier-13211319402651 (READ-ONLY COPY).

The authoritative reference and input builder live on the scoring server;
editing this copy changes nothing except your own understanding.
"""

import jax, jax.numpy as jnp
import numpy as np

N = 19
E = 342
D_IN = 1025
HID = 256
OUT = 512


def setup_inputs(seed: int = 0) -> dict:
    key = jax.random.key(seed)
    ks = jax.random.split(key, 14)
    x = jax.random.normal(ks[0], (N, D_IN), dtype=jnp.float32)
    edge_index = jax.random.randint(ks[1], (2, E), 0, N, dtype=jnp.int32)
    pred_connectivity = jax.random.uniform(ks[2], (E,), dtype=jnp.float32)
    s = 0.02
    W1a = jax.random.normal(ks[3], (D_IN, HID), dtype=jnp.float32) * s
    b1a = jnp.zeros((HID,), dtype=jnp.float32)
    W1b = jax.random.normal(ks[4], (HID, HID), dtype=jnp.float32) * s
    b1b = jnp.zeros((HID,), dtype=jnp.float32)
    W2a = jax.random.normal(ks[5], (HID, OUT), dtype=jnp.float32) * s
    b2a = jnp.zeros((OUT,), dtype=jnp.float32)
    W2b = jax.random.normal(ks[6], (OUT, OUT), dtype=jnp.float32) * s
    b2b = jnp.zeros((OUT,), dtype=jnp.float32)
    Wp = jax.random.normal(ks[7], (N * OUT, 1), dtype=jnp.float32) * s
    bp = jnp.zeros((1,), dtype=jnp.float32)
    return {
        "x": x,
        "edge_index": edge_index,
        "pred_connectivity": pred_connectivity,
        "W1a": W1a, "b1a": b1a, "W1b": W1b, "b1b": b1b,
        "W2a": W2a, "b2a": b2a, "W2b": W2b, "b2b": b2b,
        "Wp": Wp, "bp": bp,
    }


def reference(x, edge_index, pred_connectivity, W1a, b1a, W1b, b1b, W2a, b2a, W2b, b2b, Wp, bp):
    src = edge_index[0]
    dst = edge_index[1]

    def gin_conv(h, Wa, ba, Wb, bb):
        # GINConv: mlp((1+eps)*x + sum_{j in N(i)} w_ij * x_j), eps=0
        msg = h[src] * pred_connectivity[:, None]
        agg = jnp.zeros_like(h).at[dst].add(msg)
        z = h + agg
        return jax.nn.relu(z @ Wa + ba) @ Wb + bb

    # BasicGNN: act between conv layers, none after last
    h1 = jax.nn.relu(gin_conv(x, W1a, b1a, W1b, b1b))
    h2 = gin_conv(h1, W2a, b2a, W2b, b2b)
    flat = h2.reshape(N * OUT)
    pred_dem = jax.nn.sigmoid(flat @ Wp + bp)
    return pred_dem

if __name__ == "__main__":
    import jax
    _d = setup_inputs()
    print(jax.jit(kernel)(*tuple(_d.values())))

</pallas_src>

<mosaic_0001>
#map = affine_map<(d0, d1) -> (0, 0)>
#map1 = affine_map<(d0, d1) -> (0)>
module attributes {stable_mosaic.version = 14 : i64} {
  func.func @_sc_build_adjacency(%arg0: i32, %arg1: i32, %arg2: memref<2x342xi32, #tpu.memory_space<hbm>>, %arg3: memref<342xf32, #tpu.memory_space<hbm>>, %arg4: memref<19x32xf32, #tpu.memory_space<hbm>>, %arg5: memref<2x342xi32, #tpu.memory_space<vmem>>, %arg6: memref<342xf32, #tpu.memory_space<vmem>>, %arg7: memref<19x32xf32, #tpu.memory_space<vmem>>, %arg8: memref<!tpu.dma_semaphore, #tpu.memory_space<semaphore_mem>>) attributes {dimension_semantics = [#tpu.dimension_semantics<core_parallel>, #tpu.dimension_semantics<subcore_parallel>], iteration_bounds = array<i64: 1, 1>, scalar_prefetch = 0 : i64, scratch_operands = 4 : i64, tpu.core_type = #tpu.core_type<sc_vector_subcore>, window_params = [{transform_indices = #map}, {transform_indices = #map1}, {transform_indices = #map}]} {
    tpu.enqueue_dma source(%arg2 : memref<2x342xi32, #tpu.memory_space<hbm>>) target(%arg5 : memref<2x342xi32, #tpu.memory_space<vmem>>) target_semaphore(%arg8 : memref<!tpu.dma_semaphore, #tpu.memory_space<semaphore_mem>>)
    tpu.enqueue_dma source(%arg3 : memref<342xf32, #tpu.memory_space<hbm>>) target(%arg6 : memref<342xf32, #tpu.memory_space<vmem>>) target_semaphore(%arg8 : memref<!tpu.dma_semaphore, #tpu.memory_space<semaphore_mem>>)
    %broadcast_in_dim3A = arith.constant 0.000000e+00 : f32
    %broadcast_in_dim3A_0 = vector.broadcast %broadcast_in_dim3A : f32 to vector<16xf32>
    %swap3A = arith.constant 0 : i32
    %swap3A_1 = arith.index_cast %swap3A : i32 to index
    %swap3A_2 = arith.constant 0 : index
    %swap3A_3 = tpu.vector_load %arg7[%swap3A_1, %swap3A_2] {strides = array<i32>} : memref<19x32xf32, #tpu.memory_space<vmem>>, vector<16xf32>,
    tpu.vector_store %arg7[%swap3A_1, %swap3A_2], %broadcast_in_dim3A_0 {strides = array<i32>} : memref<19x32xf32, #tpu.memory_space<vmem>>, vector<16xf32>,
    %swap3A_4 = arith.constant 0 : i32
    %swap3A_5 = arith.index_cast %swap3A_4 : i32 to index
    %swap3A_6 = arith.constant 16 : index
    %swap3A_7 = tpu.vector_load %arg7[%swap3A_5, %swap3A_6] {strides = array<i32>} : memref<19x32xf32, #tpu.memory_space<vmem>>, vector<16xf32>,
    tpu.vector_store %arg7[%swap3A_5, %swap3A_6], %broadcast_in_dim3A_0 {strides = array<i32>} : memref<19x32xf32, #tpu.memory_space<vmem>>, vector<16xf32>,
    %swap3A_8 = arith.constant 1 : i32
    %swap3A_9 = arith.index_cast %swap3A_8 : i32 to index
    %swap3A_10 = arith.constant 0 : index
    %swap3A_11 = tpu.vector_load %arg7[%swap3A_9, %swap3A_10] {strides = array<i32>} : memref<19x32xf32, #tpu.memory_space<vmem>>, vector<16xf32>,
    tpu.vector_store %arg7[%swap3A_9, %swap3A_10], %broadcast_in_dim3A_0 {strides = array<i32>} : memref<19x32xf32, #tpu.memory_space<vmem>>, vector<16xf32>,
    %swap3A_12 = arith.constant 1 : i32
    %swap3A_13 = arith.index_cast %swap3A_12 : i32 to index
    %swap3A_14 = arith.constant 16 : index
    %swap3A_15 = tpu.vector_load %arg7[%swap3A_13, %swap3A_14] {strides = array<i32>} : memref<19x32xf32, #tpu.memory_space<vmem>>, vector<16xf32>,
    tpu.vector_store %arg7[%swap3A_13, %swap3A_14], %broadcast_in_dim3A_0 {strides = array<i32>} : memref<19x32xf32, #tpu.memory_space<vmem>>, vector<16xf32>,
    %swap3A_16 = arith.constant 2 : i32
    %swap3A_17 = arith.index_cast %swap3A_16 : i32 to index
    %swap3A_18 = arith.constant 0 : index
    %swap3A_19 = tpu.vector_load %arg7[%swap3A_17, %swap3A_18] {strides = array<i32>} : memref<19x32xf32, #tpu.memory_space<vmem>>, vector<16xf32>,
    tpu.vector_store %arg7[%swap3A_17, %swap3A_18], %broadcast_in_dim3A_0 {strides = array<i32>} : memref<19x32xf32, #tpu.memory_space<vmem>>, vector<16xf32>,
    %swap3A_20 = arith.constant 2 : i32
    %swap3A_21 = arith.index_cast %swap3A_20 : i32 to index
    %swap3A_22 = arith.constant 16 : index
    %swap3A_23 = tpu.vector_load %arg7[%swap3A_21, %swap3A_22] {strides = array<i32>} : memref<19x32xf32, #tpu.memory_space<vmem>>, vector<16xf32>,
    tpu.vector_store %arg7[%swap3A_21, %swap3A_22], %broadcast_in_dim3A_0 {strides = array<i32>} : memref<19x32xf32, #tpu.memory_space<vmem>>, vector<16xf32>,
    %swap3A_24 = arith.constant 3 : i32
    %swap3A_25 = arith.index_cast %swap3A_24 : i32 to index
    %swap3A_26 = arith.constant 0 : index
    %swap3A_27 = tpu.vector_load %arg7[%swap3A_25, %swap3A_26] {strides = array<i32>} : memref<19x32xf32, #tpu.memory_space<vmem>>, vector<16xf32>,
    tpu.vector_store %arg7[%swap3A_25, %swap3A_26], %broadcast_in_dim3A_0 {strides = array<i32>} : memref<19x32xf32, #tpu.memory_space<vmem>>, vector<16xf32>,
    %swap3A_28 = arith.constant 3 : i32
    %swap3A_29 = arith.index_cast %swap3A_28 : i32 to index
    %swap3A_30 = arith.constant 16 : index
    %swap3A_31 = tpu.vector_load %arg7[%swap3A_29, %swap3A_30] {strides = array<i32>} : memref<19x32xf32, #tpu.memory_space<vmem>>, vector<16xf32>,
    tpu.vector_store %arg7[%swap3A_29, %swap3A_30], %broadcast_in_dim3A_0 {strides = array<i32>} : memref<19x32xf32, #tpu.memory_space<vmem>>, vector<16xf32>,
    %swap3A_32 = arith.constant 4 : i32
    %swap3A_33 = arith.index_cast %swap3A_32 : i32 to index
    %swap3A_34 = arith.constant 0 : index
    %swap3A_35 = tpu.vector_load %arg7[%swap3A_33, %swap3A_34] {strides = array<i32>} : memref<19x32xf32, #tpu.memory_space<vmem>>, vector<16xf32>,
    tpu.vector_store %arg7[%swap3A_33, %swap3A_34], %broadcast_in_dim3A_0 {strides = array<i32>} : memref<19x32xf32, #tpu.memory_space<vmem>>, vector<16xf32>,
    %swap3A_36 = arith.constant 4 : i32
    %swap3A_37 = arith.index_cast %swap3A_36 : i32 to index
    %swap3A_38 = arith.constant 16 : index
    %swap3A_39 = tpu.vector_load %arg7[%swap3A_37, %swap3A_38] {strides = array<i32>} : memref<19x32xf32, #tpu.memory_space<vmem>>, vector<16xf32>,
    tpu.vector_store %arg7[%swap3A_37, %swap3A_38], %broadcast_in_dim3A_0 {strides = array<i32>} : memref<19x32xf32, #tpu.memory_space<vmem>>, vector<16xf32>,
    %swap3A_40 = arith.constant 5 : i32
    %swap3A_41 = arith.index_cast %swap3A_40 : i32 to index
    %swap3A_42 = arith.constant 0 : index
    %swap3A_43 = tpu.vector_load %arg7[%swap3A_41, %swap3A_42] {strides = array<i32>} : memref<19x32xf32, #tpu.memory_space<vmem>>, vector<16xf32>,
    tpu.vector_store %arg7[%swap3A_41, %swap3A_42], %broadcast_in_dim3A_0 {strides = array<i32>} : memref<19x32xf32, #tpu.memory_space<vmem>>, vector<16xf32>,
    %swap3A_44 = arith.constant 5 : i32
    %swap3A_45 = arith.index_cast %swap3A_44 : i32 to index
    %swap3A_46 = arith.constant 16 : index
    %swap3A_47 = tpu.vector_load %arg7[%swap3A_45, %swap3A_46] {strides = array<i32>} : memref<19x32xf32, #tpu.memory_space<vmem>>, vector<16xf32>,
    tpu.vector_store %arg7[%swap3A_45, %swap3A_46], %broadcast_in_dim3A_0 {strides = array<i32>} : memref<19x32xf32, #tpu.memory_space<vmem>>, vector<16xf32>,
    %swap3A_48 = arith.constant 6 : i32
    %swap3A_49 = arith.index_cast %swap3A_48 : i32 to index
    %swap3A_50 = arith.constant 0 : index
    %swap3A_51 = tpu.vector_load %arg7[%swap3A_49, %swap3A_50] {strides = array<i32>} : memref<19x32xf32, #tpu.memory_space<vmem>>, vector<16xf32>,
    tpu.vector_store %arg7[%swap3A_49, %swap3A_50], %broadcast_in_dim3A_0 {strides = array<i32>} : memref<19x32xf32, #tpu.memory_space<vmem>>, vector<16xf32>,
    %swap3A_52 = arith.constant 6 : i32
    %swap3A_53 = arith.index_cast %swap3A_52 : i32 to index
    %swap3A_54 = arith.constant 16 : index
    %swap3A_55 = tpu.vector_load %arg7[%swap3A_53, %swap3A_54] {strides = array<i32>} : memref<19x32xf32, #tpu.memory_space<vmem>>, vector<16xf32>,
    tpu.vector_store %arg7[%swap3A_53, %swap3A_54], %broadcast_in_dim3A_0 {strides = array<i32>} : memref<19x32xf32, #tpu.memory_space<vmem>>, vector<16xf32>,
    %swap3A_56 = arith.constant 7 : i32
    %swap3A_57 = arith.index_cast %swap3A_56 : i32 to index
    %swap3A_58 = arith.constant 0 : index
    %swap3A_59 = tpu.vector_load %arg7[%swap3A_57, %swap3A_58] {strides = array<i32>} : memref<19x32xf32, #tpu.memory_space<vmem>>, vector<16xf32>,
    tpu.vector_store %arg7[%swap3A_57, %swap3A_58], %broadcast_in_dim3A_0 {strides = array<i32>} : memref<19x32xf32, #tpu.memory_space<vmem>>, vector<16xf32>,
    %swap3A_60 = arith.constant 7 : i32
    %swap3A_61 = arith.index_cast %swap3A_60 : i32 to index
    %swap3A_62 = arith.constant 16 : index
    %swap3A_63 = tpu.vector_load %arg7[%swap3A_61, %swap3A_62] {strides = array<i32>} : memref<19x32xf32, #tpu.memory_space<vmem>>, vector<16xf32>,
    tpu.vector_store %arg7[%swap3A_61, %swap3A_62], %broadcast_in_dim3A_0 {strides = array<i32>} : memref<19x32xf32, #tpu.memory_space<vmem>>, vector<16xf32>,
    %swap3A_64 = arith.constant 8 : i32
    %swap3A_65 = arith.index_cast %swap3A_64 : i32 to index
    %swap3A_66 = arith.constant 0 : index
    %swap3A_67 = tpu.vector_load %arg7[%swap3A_65, %swap3A_66] {strides = array<i32>} : memref<19x32xf32, #tpu.memory_space<vmem>>, vector<16xf32>,
    tpu.vector_store %arg7[%swap3A_65, %swap3A_66], %broadcast_in_dim3A_0 {strides = array<i32>} : memref<19x32xf32, #tpu.memory_space<vmem>>, vector<16xf32>,
    %swap3A_68 = arith.constant 8 : i32
    %swap3A_69 = arith.index_cast %swap3A_68 : i32 to index
    %swap3A_70 = arith.constant 16 : index
    %swap3A_71 = tpu.vector_load %arg7[%swap3A_69, %swap3A_70] {strides = array<i32>} : memref<19x32xf32, #tpu.memory_space<vmem>>, vector<16xf32>,
    tpu.vector_store %arg7[%swap3A_69, %swap3A_70], %broadcast_in_dim3A_0 {strides = array<i32>} : memref<19x32xf32, #tpu.memory_space<vmem>>, vector<16xf32>,
    %swap3A_72 = arith.constant 9 : i32
    %swap3A_73 = arith.index_cast %swap3A_72 : i32 to index
    %swap3A_74 = arith.constant 0 : index
    %swap3A_75 = tpu.vector_load %arg7[%swap3A_73, %swap3A_74] {strides = array<i32>} : memref<19x32xf32, #tpu.memory_space<vmem>>, vector<16xf32>,
    tpu.vector_store %arg7[%swap3A_73, %swap3A_74], %broadcast_in_dim3A_0 {strides = array<i32>} : memref<19x32xf32, #tpu.memory_space<vmem>>, vector<16xf32>,
    %swap3A_76 = arith.constant 9 : i32
    %swap3A_77 = arith.index_cast %swap3A_76 : i32 to index
    %swap3A_78 = arith.constant 16 : index
    %swap3A_79 = tpu.vector_load %arg7[%swap3A_77, %swap3A_78] {strides = array<i32>} : memref<19x32xf32, #tpu.memory_space<vmem>>, vector<16xf32>,
    tpu.vector_store %arg7[%swap3A_77, %swap3A_78], %broadcast_in_dim3A_0 {strides = array<i32>} : memref<19x32xf32, #tpu.memory_space<vmem>>, vector<16xf32>,
    %swap3A_80 = arith.constant 10 : i32
    %swap3A_81 = arith.index_cast %swap3A_80 : i32 to index
    %swap3A_82 = arith.constant 0 : index
    %swap3A_83 = tpu.vector_load %arg7[%swap3A_81, %swap3A_82] {strides = array<i32>} : memref<19x32xf32, #tpu.memory_space<vmem>>, vector<16xf32>,
    tpu.vector_store %arg7[%swap3A_81, %swap3A_82], %broadcast_in_dim3A_0 {strides = array<i32>} : memref<19x32xf32, #tpu.memory_space<vmem>>, vector<16xf32>,
    %swap3A_84 = arith.constant 10 : i32
    %swap3A_85 = arith.index_cast %swap3A_84 : i32 to index
    %swap3A_86 = arith.constant 16 : index
    %swap3A_87 = tpu.vector_load %arg7[%swap3A_85, %swap3A_86] {strides = array<i32>} : memref<19x32xf32, #tpu.memory_space<vmem>>, vector<16xf32>,
    tpu.vector_store %arg7[%swap3A_85, %swap3A_86], %broadcast_in_dim3A_0 {strides = array<i32>} : memref<19x32xf32, #tpu.memory_space<vmem>>, vector<16xf32>,
    %swap3A_88 = arith.constant 11 : i32
    %swap3A_89 = arith.index_cast %swap3A_88 : i32 to index
    %swap3A_90 = arith.constant 0 : index
    %swap3A_91 = tpu.vector_load %arg7[%swap3A_89, %swap3A_90] {strides = array<i32>} : memref<19x32xf32, #tpu.memory_space<vmem>>, vector<16xf32>,
    tpu.vector_store %arg7[%swap3A_89, %swap3A_90], %broadcast_in_dim3A_0 {strides = array<i32>} : memref<19x32xf32, #tpu.memory_space<vmem>>, vector<16xf32>,
    %swap3A_92 = arith.constant 11 : i32
    %swap3A_93 = arith.index_cast %swap3A_92 : i32 to index
    %swap3A_94 = arith.constant 16 : index
    %swap3A_95 = tpu.vector_load %arg7[%swap3A_93, %swap3A_94] {strides = array<i32>} : memref<19x32xf32, #tpu.memory_space<vmem>>, vector<16xf32>,
    tpu.vector_store %arg7[%swap3A_93, %swap3A_94], %broadcast_in_dim3A_0 {strides = array<i32>} : memref<19x32xf32, #tpu.memory_space<vmem>>, vector<16xf32>,
    %swap3A_96 = arith.constant 12 : i32
    %swap3A_97 = arith.index_cast %swap3A_96 : i32 to index
    %swap3A_98 = arith.constant 0 : index
    %swap3A_99 = tpu.vector_load %arg7[%swap3A_97, %swap3A_98] {strides = array<i32>} : memref<19x32xf32, #tpu.memory_space<vmem>>, vector<16xf32>,
    tpu.vector_store %arg7[%swap3A_97, %swap3A_98], %broadcast_in_dim3A_0 {strides = array<i32>} : memref<19x32xf32, #tpu.memory_space<vmem>>, vector<16xf32>,
    %swap3A_100 = arith.constant 12 : i32
    %swap3A_101 = arith.index_cast %swap3A_100 : i32 to index
    %swap3A_102 = arith.constant 16 : index
    %swap3A_103 = tpu.vector_load %arg7[%swap3A_101, %swap3A_102] {strides = array<i32>} : memref<19x32xf32, #tpu.memory_space<vmem>>, vector<16xf32>,
    tpu.vector_store %arg7[%swap3A_101, %swap3A_102], %broadcast_in_dim3A_0 {strides = array<i32>} : memref<19x32xf32, #tpu.memory_space<vmem>>, vector<16xf32>,
    %swap3A_104 = arith.constant 13 : i32
    %swap3A_105 = arith.index_cast %swap3A_104 : i32 to index
    %swap3A_106 = arith.constant 0 : index
    %swap3A_107 = tpu.vector_load %arg7[%swap3A_105, %swap3A_106] {strides = array<i32>} : memref<19x32xf32, #tpu.memory_space<vmem>>, vector<16xf32>,
    tpu.vector_store %arg7[%swap3A_105, %swap3A_106], %broadcast_in_dim3A_0 {strides = array<i32>} : memref<19x32xf32, #tpu.memory_space<vmem>>, vector<16xf32>,
    %swap3A_108 = arith.constant 13 : i32
    %swap3A_109 = arith.index_cast %swap3A_108 : i32 to index
    %swap3A_110 = arith.constant 16 : index
    %swap3A_111 = tpu.vector_load %arg7[%swap3A_109, %swap3A_110] {strides = array<i32>} : memref<19x32xf32, #tpu.memory_space<vmem>>, vector<16xf32>,
    tpu.vector_store %arg7[%swap3A_109, %swap3A_110], %broadcast_in_dim3A_0 {strides = array<i32>} : memref<19x32xf32, #tpu.memory_space<vmem>>, vector<16xf32>,
    %swap3A_112 = arith.constant 14 : i32
    %swap3A_113 = arith.index_cast %swap3A_112 : i32 to index
    %swap3A_114 = arith.constant 0 : index
    %swap3A_115 = tpu.vector_load %arg7[%swap3A_113, %swap3A_114] {strides = array<i32>} : memref<19x32xf32, #tpu.memory_space<vmem>>, vector<16xf32>,
    tpu.vector_store %arg7[%swap3A_113, %swap3A_114], %broadcast_in_dim3A_0 {strides = array<i32>} : memref<19x32xf32, #tpu.memory_space<vmem>>, vector<16xf32>,
    %swap3A_116 = arith.constant 14 : i32
    %swap3A_117 = arith.index_cast %swap3A_116 : i32 to index
    %swap3A_118 = arith.constant 16 : index
    %swap3A_119 = tpu.vector_load %arg7[%swap3A_117, %swap3A_118] {strides = array<i32>} : memref<19x32xf32, #tpu.memory_space<vmem>>, vector<16xf32>,
    tpu.vector_store %arg7[%swap3A_117, %swap3A_118], %broadcast_in_dim3A_0 {strides = array<i32>} : memref<19x32xf32, #tpu.memory_space<vmem>>, vector<16xf32>,
    %swap3A_120 = arith.constant 15 : i32
    %swap3A_121 = arith.index_cast %swap3A_120 : i32 to index
    %swap3A_122 = arith.constant 0 : index
    %swap3A_123 = tpu.vector_load %arg7[%swap3A_121, %swap3A_122] {strides = array<i32>} : memref<19x32xf32, #tpu.memory_space<vmem>>, vector<16xf32>,
    tpu.vector_store %arg7[%swap3A_121, %swap3A_122], %broadcast_in_dim3A_0 {strides = array<i32>} : memref<19x32xf32, #tpu.memory_space<vmem>>, vector<16xf32>,
    %swap3A_124 = arith.constant 15 : i32
    %swap3A_125 = arith.index_cast %swap3A_124 : i32 to index
    %swap3A_126 = arith.constant 16 : index
    %swap3A_127 = tpu.vector_load %arg7[%swap3A_125, %swap3A_126] {strides = array<i32>} : memref<19x32xf32, #tpu.memory_space<vmem>>, vector<16xf32>,
    tpu.vector_store %arg7[%swap3A_125, %swap3A_126], %broadcast_in_dim3A_0 {strides = array<i32>} : memref<19x32xf32, #tpu.memory_space<vmem>>, vector<16xf32>,
    %swap3A_128 = arith.constant 16 : i32
    %swap3A_129 = arith.index_cast %swap3A_128 : i32 to index
    %swap3A_130 = arith.constant 0 : index
    %swap3A_131 = tpu.vector_load %arg7[%swap3A_129, %swap3A_130] {strides = array<i32>} : memref<19x32xf32, #tpu.memory_space<vmem>>, vector<16xf32>,
    tpu.vector_store %arg7[%swap3A_129, %swap3A_130], %broadcast_in_dim3A_0 {strides = array<i32>} : memref<19x32xf32, #tpu.memory_space<vmem>>, vector<16xf32>,
    %swap3A_132 = arith.constant 16 : i32
    %swap3A_133 = arith.index_cast %swap3A_132 : i32 to index
    %swap3A_134 = arith.constant 16 : index
    %swap3A_135 = tpu.vector_load %arg7[%swap3A_133, %swap3A_134] {strides = array<i32>} : memref<19x32xf32, #tpu.memory_space<vmem>>, vector<16xf32>,
    tpu.vector_store %arg7[%swap3A_133, %swap3A_134], %broadcast_in_dim3A_0 {strides = array<i32>} : memref<19x32xf32, #tpu.memory_space<vmem>>, vector<16xf32>,
    %swap3A_136 = arith.constant 17 : i32
    %swap3A_137 = arith.index_cast %swap3A_136 : i32 to index
    %swap3A_138 = arith.constant 0 : index
    %swap3A_139 = tpu.vector_load %arg7[%swap3A_137, %swap3A_138] {strides = array<i32>} : memref<19x32xf32, #tpu.memory_space<vmem>>, vector<16xf32>,
    tpu.vector_store %arg7[%swap3A_137, %swap3A_138], %broadcast_in_dim3A_0 {strides = array<i32>} : memref<19x32xf32, #tpu.memory_space<vmem>>, vector<16xf32>,
    %swap3A_140 = arith.constant 17 : i32
    %swap3A_141 = arith.index_cast %swap3A_140 : i32 to index
    %swap3A_142 = arith.constant 16 : index
    %swap3A_143 = tpu.vector_load %arg7[%swap3A_141, %swap3A_142] {strides = array<i32>} : memref<19x32xf32, #tpu.memory_space<vmem>>, vector<16xf32>,
    tpu.vector_store %arg7[%swap3A_141, %swap3A_142], %broadcast_in_dim3A_0 {strides = array<i32>} : memref<19x32xf32, #tpu.memory_space<vmem>>, vector<16xf32>,
    %swap3A_144 = arith.constant 18 : i32
    %swap3A_145 = arith.index_cast %swap3A_144 : i32 to index
    %swap3A_146 = arith.constant 0 : index
    %swap3A_147 = tpu.vector_load %arg7[%swap3A_145, %swap3A_146] {strides = array<i32>} : memref<19x32xf32, #tpu.memory_space<vmem>>, vector<16xf32>,
    tpu.vector_store %arg7[%swap3A_145, %swap3A_146], %broadcast_in_dim3A_0 {strides = array<i32>} : memref<19x32xf32, #tpu.memory_space<vmem>>, vector<16xf32>,
    %swap3A_148 = arith.constant 18 : i32
    %swap3A_149 = arith.index_cast %swap3A_148 : i32 to index
    %swap3A_150 = arith.constant 16 : index
    %swap3A_151 = tpu.vector_load %arg7[%swap3A_149, %swap3A_150] {strides = array<i32>} : memref<19x32xf32, #tpu.memory_space<vmem>>, vector<16xf32>,
    tpu.vector_store %arg7[%swap3A_149, %swap3A_150], %broadcast_in_dim3A_0 {strides = array<i32>} : memref<19x32xf32, #tpu.memory_space<vmem>>, vector<16xf32>,
    tpu.wait_dma2 semaphore(%arg8 : memref<!tpu.dma_semaphore, #tpu.memory_space<semaphore_mem>>) src(%arg2 : memref<2x342xi32, #tpu.memory_space<hbm>>) dst(%arg5 : memref<2x342xi32, #tpu.memory_space<vmem>>)
    tpu.wait_dma2 semaphore(%arg8 : memref<!tpu.dma_semaphore, #tpu.memory_space<semaphore_mem>>) src(%arg3 : memref<342xf32, #tpu.memory_space<hbm>>) dst(%arg6 : memref<342xf32, #tpu.memory_space<vmem>>)
    %scan3A = arith.constant 0 : i32
    %scan3A_152 = arith.constant 0 : i32
    %scan3A_153 = arith.constant 21 : i32
    %scan3A_154 = arith.addi %scan3A_152, %scan3A_153 : i32
    %scan3A_155 = arith.constant 1 : i32
    scf.for %scan3A_168 = %scan3A_152 to %scan3A_154 step %scan3A_155  : i32 {
      %mul3A = arith.constant 16 : i32
      %mul3A_169 = arith.muli %scan3A_168, %mul3A : i32
      %multiple_of3A = tpu.assume_multiple %mul3A_169, 16 : i32
      %get3A_170 = arith.constant 0 : i32
      %get3A_171 = arith.index_cast %get3A_170 : i32 to index
      %get3A_172 = arith.index_cast %multiple_of3A : i32 to index
      %get3A_173 = tpu.vector_load %arg5[%get3A_171, %get3A_172] {strides = array<i32>} : memref<2x342xi32, #tpu.memory_space<vmem>>, vector<16xi32>,
      %get3A_174 = arith.constant 1 : i32
      %get3A_175 = arith.index_cast %get3A_174 : i32 to index
      %get3A_176 = arith.index_cast %multiple_of3A : i32 to index
      %get3A_177 = tpu.vector_load %arg5[%get3A_175, %get3A_176] {strides = array<i32>} : memref<2x342xi32, #tpu.memory_space<vmem>>, vector<16xi32>,
      %get3A_178 = arith.index_cast %multiple_of3A : i32 to index
      %get3A_179 = tpu.vector_load %arg6[%get3A_178] {strides = array<i32>} : memref<342xf32, #tpu.memory_space<vmem>>, vector<16xf32>,
      tpu.vector_store_idx %arg7[%get3A_177, %get3A_173], %get3A_179 {add = true} : memref<19x32xf32, #tpu.memory_space<vmem>>[vector<16xi32>, vector<16xi32>], vector<16xf32>,
    }
    %scan3A_156 = arith.constant 21 : i32
    %iota3A = tpu.iota {dimensions = array<i32: 0>} : vector<16xi32>
    %get3A = arith.constant 0 : i32
    %get3A_157 = arith.index_cast %get3A : i32 to index
    %get3A_158 = arith.constant 326 : index
    %get3A_159 = tpu.vector_load %arg5[%get3A_157, %get3A_158] {strides = array<i32>} : memref<2x342xi32, #tpu.memory_space<vmem>>, vector<16xi32>,
    %get3A_160 = arith.constant 1 : i32
    %get3A_161 = arith.index_cast %get3A_160 : i32 to index
    %get3A_162 = arith.constant 326 : index
    %get3A_163 = tpu.vector_load %arg5[%get3A_161, %get3A_162] {strides = array<i32>} : memref<2x342xi32, #tpu.memory_space<vmem>>, vector<16xi32>,
    %get3A_164 = arith.constant 326 : index
    %get3A_165 = tpu.vector_load %arg6[%get3A_164] {strides = array<i32>} : memref<342xf32, #tpu.memory_space<vmem>>, vector<16xf32>,
    %ge3A = arith.constant 10 : i32
    %ge3A_166 = vector.broadcast %ge3A : i32 to vector<16xi32>
    %ge3A_167 = arith.cmpi sge, %iota3A, %ge3A_166 : vector<16xi32>
    tpu.vector_store_idx %arg7[%get3A_163, %get3A_159], %get3A_165 masked %ge3A_167 {add = true} : memref<19x32xf32, #tpu.memory_space<vmem>>[vector<16xi32>, vector<16xi32>], vector<16xf32>, vector<16xi1>
    "tpu.region"() ({
      %run_scoped3A = tpu.sem_alloc : memref<!tpu.dma_semaphore, #tpu.memory_space<semaphore_mem>>
      tpu.enqueue_dma source(%arg7 : memref<19x32xf32, #tpu.memory_space<vmem>>) target(%arg4 : memref<19x32xf32, #tpu.memory_space<hbm>>) target_semaphore(%run_scoped3A : memref<!tpu.dma_semaphore, #tpu.memory_space<semaphore_mem>>)
      tpu.wait_dma2 semaphore(%run_scoped3A : memref<!tpu.dma_semaphore, #tpu.memory_space<semaphore_mem>>) src(%arg7 : memref<19x32xf32, #tpu.memory_space<vmem>>) dst(%arg4 : memref<19x32xf32, #tpu.memory_space<hbm>>)
      tpu.yield
    }) : () -> ()
    return
  }
}

module attributes {stable_mosaic.version = 14 : i64} {
  func.func @_tc_first_mm(%arg0: memref<19x1025xf32, #tpu.memory_space<vmem>>, %arg1: memref<1025x256xf32, #tpu.memory_space<vmem>>, %arg2: memref<19x256xf32, #tpu.memory_space<vmem>>) attributes {dimension_semantics = [], scalar_prefetch = 0 : i64, scratch_operands = 0 : i64, tpu.core_type = #tpu.core_type<tc>} {
    %get3A = arith.constant 0 : index
    %get3A_0 = arith.constant 0 : index
    %get3A_1 = vector.load %arg0[%get3A, %get3A_0] : memref<19x1025xf32, #tpu.memory_space<vmem>>, vector<19x1025xf32>
    %get3A_2 = arith.constant 0 : index
    %get3A_3 = arith.constant 0 : index
    %get3A_4 = vector.load %arg1[%get3A_2, %get3A_3] : memref<1025x256xf32, #tpu.memory_space<vmem>>, vector<1025x256xf32>
    %dot_general3A = arith.constant dense<0.000000e+00> : vector<19x256xf32>
    %dot_general3A_5 = tpu.matmul %get3A_1, %get3A_4, %dot_general3A {dimension_numbers = #tpu.dot_dimension_numbers<[1], [0], [0], [1], [0, 0, 1, 1], [], []>, transpose_lhs_hint = false} : vector<19x1025xf32>, vector<1025x256xf32>, vector<19x256xf32> -> vector<19x256xf32>
    %swap3A = arith.constant 0 : index
    %swap3A_6 = arith.constant 0 : index
    %swap3A_7 = vector.load %arg2[%swap3A, %swap3A_6] : memref<19x256xf32, #tpu.memory_space<vmem>>, vector<19x256xf32>
    tpu.vector_store %arg2[%swap3A, %swap3A_6], %dot_general3A_5 {strides = array<i32>} : memref<19x256xf32, #tpu.memory_space<vmem>>, vector<19x256xf32>,
    return
  }
}

module attributes {stable_mosaic.version = 14 : i64} {
  func.func @_tc_dense(%arg0: memref<19x32xf32, #tpu.memory_space<vmem>>, %arg1: memref<19x256xf32, #tpu.memory_space<vmem>>, %arg2: memref<256xf32, #tpu.memory_space<vmem>>, %arg3: memref<256x256xf32, #tpu.memory_space<vmem>>, %arg4: memref<256xf32, #tpu.memory_space<vmem>>, %arg5: memref<256x512xf32, #tpu.memory_space<vmem>>, %arg6: memref<512xf32, #tpu.memory_space<vmem>>, %arg7: memref<512x512xf32, #tpu.memory_space<vmem>>, %arg8: memref<512xf32, #tpu.memory_space<vmem>>, %arg9: memref<19x512xf32, #tpu.memory_space<vmem>>, %arg10: memref<1xf32, #tpu.memory_space<vmem>>, %arg11: memref<1x1xf32, #tpu.memory_space<vmem>>) attributes {dimension_semantics = [], scalar_prefetch = 0 : i64, scratch_operands = 0 : i64, tpu.core_type = #tpu.core_type<tc>} {
    %get3A = arith.constant 0 : index
    %get3A_0 = arith.constant 0 : index
    %get3A_1 = vector.load %arg0[%get3A, %get3A_0] : memref<19x32xf32, #tpu.memory_space<vmem>>, vector<19x32xf32>
    %slice3A = vector.extract_strided_slice %get3A_1 {offsets = [0, 0], sizes = [19, 19], strides = [1, 1]} : vector<19x32xf32> to vector<19x19xf32>
    %get3A_2 = arith.constant 0 : index
    %get3A_3 = arith.constant 0 : index
    %get3A_4 = vector.load %arg1[%get3A_2, %get3A_3] : memref<19x256xf32, #tpu.memory_space<vmem>>, vector<19x256xf32>
    %dot_general3A = arith.constant dense<0.000000e+00> : vector<19x256xf32>
    %dot_general3A_5 = tpu.matmul %slice3A, %get3A_4, %dot_general3A {dimension_numbers = #tpu.dot_dimension_numbers<[1], [0], [0], [1], [0, 0, 1, 1], [], []>, transpose_lhs_hint = false} : vector<19x19xf32>, vector<19x256xf32>, vector<19x256xf32> -> vector<19x256xf32>
    %add3A = arith.addf %get3A_4, %dot_general3A_5 : vector<19x256xf32>
    %get3A_6 = arith.constant 0 : index
    %get3A_7 = vector.load %arg2[%get3A_6] : memref<256xf32, #tpu.memory_space<vmem>>, vector<256xf32>
    %broadcast_in_dim3A = vector.shape_cast %get3A_7 : vector<256xf32> to vector<1x256xf32>
    %add3A_8 = vector.broadcast %broadcast_in_dim3A : vector<1x256xf32> to vector<19x256xf32>
    %add3A_9 = arith.addf %add3A, %add3A_8 : vector<19x256xf32>
    %max3A = arith.constant 0.000000e+00 : f32
    %max3A_10 = vector.broadcast %max3A : f32 to vector<19x256xf32>
    %max3A_11 = arith.maximumf %add3A_9, %max3A_10 : vector<19x256xf32>
    %get3A_12 = arith.constant 0 : index
    %get3A_13 = arith.constant 0 : index
    %get3A_14 = vector.load %arg3[%get3A_12, %get3A_13] : memref<256x256xf32, #tpu.memory_space<vmem>>, vector<256x256xf32>
    %dot_general3A_15 = arith.constant dense<0.000000e+00> : vector<19x256xf32>
    %dot_general3A_16 = tpu.matmul %max3A_11, %get3A_14, %dot_general3A_15 {dimension_numbers = #tpu.dot_dimension_numbers<[1], [0], [0], [1], [0, 0, 1, 1], [], []>, transpose_lhs_hint = false} : vector<19x256xf32>, vector<256x256xf32>, vector<19x256xf32> -> vector<19x256xf32>
    %get3A_17 = arith.constant 0 : index
    %get3A_18 = vector.load %arg4[%get3A_17] : memref<256xf32, #tpu.memory_space<vmem>>, vector<256xf32>
    %broadcast_in_dim3A_19 = vector.shape_cast %get3A_18 : vector<256xf32> to vector<1x256xf32>
    %add3A_20 = vector.broadcast %broadcast_in_dim3A_19 : vector<1x256xf32> to vector<19x256xf32>
    %add3A_21 = arith.addf %dot_general3A_16, %add3A_20 : vector<19x256xf32>
    %max3A_22 = arith.constant 0.000000e+00 : f32
    %max3A_23 = vector.broadcast %max3A_22 : f32 to vector<19x256xf32>
    %max3A_24 = arith.maximumf %add3A_21, %max3A_23 : vector<19x256xf32>
    %dot_general3A_25 = arith.constant dense<0.000000e+00> : vector<19x256xf32>
    %dot_general3A_26 = tpu.matmul %slice3A, %max3A_24, %dot_general3A_25 {dimension_numbers = #tpu.dot_dimension_numbers<[1], [0], [0], [1], [0, 0, 1, 1], [], []>, transpose_lhs_hint = false} : vector<19x19xf32>, vector<19x256xf32>, vector<19x256xf32> -> vector<19x256xf32>
    %add3A_27 = arith.addf %max3A_24, %dot_general3A_26 : vector<19x256xf32>
    %get3A_28 = arith.constant 0 : index
    %get3A_29 = arith.constant 0 : index
    %get3A_30 = vector.load %arg5[%get3A_28, %get3A_29] : memref<256x512xf32, #tpu.memory_space<vmem>>, vector<256x512xf32>
    %dot_general3A_31 = arith.constant dense<0.000000e+00> : vector<19x512xf32>
    %dot_general3A_32 = tpu.matmul %add3A_27, %get3A_30, %dot_general3A_31 {dimension_numbers = #tpu.dot_dimension_numbers<[1], [0], [0], [1], [0, 0, 1, 1], [], []>, transpose_lhs_hint = false} : vector<19x256xf32>, vector<256x512xf32>, vector<19x512xf32> -> vector<19x512xf32>
    %get3A_33 = arith.constant 0 : index
    %get3A_34 = vector.load %arg6[%get3A_33] : memref<512xf32, #tpu.memory_space<vmem>>, vector<512xf32>
    %broadcast_in_dim3A_35 = vector.shape_cast %get3A_34 : vector<512xf32> to vector<1x512xf32>
    %add3A_36 = vector.broadcast %broadcast_in_dim3A_35 : vector<1x512xf32> to vector<19x512xf32>
    %add3A_37 = arith.addf %dot_general3A_32, %add3A_36 : vector<19x512xf32>
    %max3A_38 = arith.constant 0.000000e+00 : f32
    %max3A_39 = vector.broadcast %max3A_38 : f32 to vector<19x512xf32>
    %max3A_40 = arith.maximumf %add3A_37, %max3A_39 : vector<19x512xf32>
    %get3A_41 = arith.constant 0 : index
    %get3A_42 = arith.constant 0 : index
    %get3A_43 = vector.load %arg7[%get3A_41, %get3A_42] : memref<512x512xf32, #tpu.memory_space<vmem>>, vector<512x512xf32>
    %dot_general3A_44 = arith.constant dense<0.000000e+00> : vector<19x512xf32>
    %dot_general3A_45 = tpu.matmul %max3A_40, %get3A_43, %dot_general3A_44 {dimension_numbers = #tpu.dot_dimension_numbers<[1], [0], [0], [1], [0, 0, 1, 1], [], []>, transpose_lhs_hint = false} : vector<19x512xf32>, vector<512x512xf32>, vector<19x512xf32> -> vector<19x512xf32>
    %get3A_46 = arith.constant 0 : index
    %get3A_47 = vector.load %arg8[%get3A_46] : memref<512xf32, #tpu.memory_space<vmem>>, vector<512xf32>
    %broadcast_in_dim3A_48 = vector.shape_cast %get3A_47 : vector<512xf32> to vector<1x512xf32>
    %add3A_49 = vector.broadcast %broadcast_in_dim3A_48 : vector<1x512xf32> to vector<19x512xf32>
    %add3A_50 = arith.addf %dot_general3A_45, %add3A_49 : vector<19x512xf32>
    %get3A_51 = arith.constant 0 : index
    %get3A_52 = arith.constant 0 : index
    %get3A_53 = vector.load %arg9[%get3A_51, %get3A_52] : memref<19x512xf32, #tpu.memory_space<vmem>>, vector<19x512xf32>
    %mul3A = arith.mulf %add3A_50, %get3A_53 : vector<19x512xf32>
    %reduce_sum3A = vector.shape_cast %mul3A : vector<19x512xf32> to vector<1x19x512xf32>
    %reduce_sum3A_54 = arith.constant dense<0.000000e+00> : vector<1xf32>
    %reduce_sum3A_55 = vector.multi_reduction <add>, %reduce_sum3A, %reduce_sum3A_54 [1, 2] : vector<1x19x512xf32> to vector<1xf32>
    %reduce_sum3A_56 = vector.shape_cast %reduce_sum3A_55 : vector<1xf32> to vector<1x1x1xf32>
    %reduce_sum3A_57 = vector.extract %reduce_sum3A_56[0, 0, 0] : f32 from vector<1x1x1xf32>
    %broadcast_in_dim3A_58 = vector.broadcast %reduce_sum3A_57 : f32 to vector<1x1xf32>
    %get3A_59 = arith.constant 0 : index
    %get3A_60 = vector.load %arg10[%get3A_59] : memref<1xf32, #tpu.memory_space<vmem>>, vector<1xf32>
    %broadcast_in_dim3A_61 = vector.shape_cast %get3A_60 : vector<1xf32> to vector<1x1xf32>
    %add3A_62 = arith.addf %broadcast_in_dim3A_58, %broadcast_in_dim3A_61 : vector<1x1xf32>
    %neg3A = arith.constant 0.000000e+00 : f32
    %neg3A_63 = vector.broadcast %neg3A : f32 to vector<1x1xf32>
    %neg3A_64 = arith.subf %neg3A_63, %add3A_62 : vector<1x1xf32>
    %exp3A = math.exp %neg3A_64 : vector<1x1xf32>
    %add3A_65 = arith.constant 1.000000e+00 : f32
    %add3A_66 = vector.broadcast %add3A_65 : f32 to vector<1x1xf32>
    %add3A_67 = arith.addf %add3A_66, %exp3A : vector<1x1xf32>
    %div3A = arith.constant 1.000000e+00 : f32
    %div3A_68 = vector.broadcast %div3A : f32 to vector<1x1xf32>
    %div3A_69 = arith.divf %div3A_68, %add3A_67 : vector<1x1xf32>
    %swap3A = arith.constant 0 : index
    %swap3A_70 = arith.constant 0 : index
    %swap3A_71 = vector.load %arg11[%swap3A, %swap3A_70] : memref<1x1xf32, #tpu.memory_space<vmem>>, vector<1x1xf32>
    tpu.vector_store %arg11[%swap3A, %swap3A_70], %div3A_69 {strides = array<i32>} : memref<1x1xf32, #tpu.memory_space<vmem>>, vector<1x1xf32>,
    return
  }
}

</mosaic_0001>

<sc_bundles>
// kernel: kernel.5.cloned.1.call-start
scs
__scs_entry_jumppad:
0x0: {  	(pc) =	sbr.rel $0x88, $3  }
0x1: {  	(tag) =	ssettag $0x0;
	lr =	simm.s32 $0x1  }
0x2: {  	[smem:$0x3F94] =	sst lr;
	_ =	strace $0xD0000000  }
0x3: {  	_ = 	snop  }
0x4: {  	_ = 	snop  }
0x5: {  	_ = 	snop  }
0x6: {  	_ = 	snop  }
0x7: {  	_ = 	snop  }
__scs_overlays_trampoline_lowered:
0x8: {  	[smem:$0x3FA3] =	sst s0  }
0x9: {  	[smem:$0x3FA4] =	sst s1  }
0xa: {  	[smem:$0x3FA5] =	sst s2  }
0xb: {  	[smem:$0x3FA6] =	sst s3  }
0xc: {  	[smem:$0x3FA7] =	sst s4  }
0xd: {  	[smem:$0x3FA8] =	sst s5  }
0xe: {  	[smem:$0x3FA9] =	sst s6  }
0xf: {  	[smem:$0x3FAA] =	sst s7  }
0x10: {  	[smem:$0x3FAB] =	sst s8  }
0x11: {  	[smem:$0x3FAC] =	sst s9;
	s0 =	simm.s32 @!p0 $0x0  }
0x12: {  	s1 =	sld [smem:$0x3F92];
	s0 =	simm.s32 @p0 $0x1  }
0x13: {  	[smem:$0x3FAD] =	sst s0;
	s0 =	simm.s32 @!p1 $0x0  }
0x14: {  	s2 =	sld [smem:$0x3F91];
	s0 =	simm.s32 @p1 $0x1  }
0x15: {  	[smem:$0x3FAE] =	sst s0;
	s0 =	simm.s32 @!p2 $0x0  }
0x16: {  	s3 =	sld [smem:$0x3FDB];
	s0 =	simm.s32 @p2 $0x1  }
0x17: {  	s4 =	simm.s32 $0x1BF5;
	[smem:$0x3FB0] =	sst s0  }
0x18: {  	s0 =	sld [smem:$0x3F93];
	_ =	swait.ge [sflag:s4], $0x0  }
0x19: {  	s7 =	sld [smem:$0x3F94]  }
0x1a: {  	s8 =	sadd.s32 $0xFFFFE003, lr  }
0x1b: {  	s9 =	sadd.s32 $0xFFFFFEF7, lr;
	s5 =	simm.s32 $0xFFFFFFFF;
	p2 =	slt.u32 s8, $0xFFFFF086  }
0x1c: {  	p1 =	slt.u32 s9, $0xF7A;
	s5 =	simm.s32 @!p2 $0x0  }
0x1d: {  	s5 =	simm.s32 @p1 $0x1;
	p0 =	seq.s32 s7, s2  }
0x1e: {  	s7 =	smul.u32 @!p0 $0xF7A, s2;
	p2 =	seq.s32 @!p0 s5, $0x0  }
0x1f: {  	s9 =	smul.u32 $0xF7A, s1;
	s8 =	simm.s32 @!p0 $0x1BF5;
	p2 =	por !p2, p0  }
0x20: {  	[sflag:s8] =	ssyncset.s32 @!p0 $0xFFFFF086;
	s6 =	sadd.s32 @!p0 s3, s7;
	s7 =	simm.s32 @!p0 $0x108  }
0x21: {  	s3 =	sadd.s32 s3, s9;
	s6 =	sadd.s32 @!p0 $0x88, s6;
	s7 =	simm.s32 @p2 $0x1082  }
0x22: {  	[simem:s7], [sflag:s8] =	dma.local @!p0 [hbm:s6], $0xF7A  }
0x23: {  	s9 =	sor.u32 $0xD0000000, s2;
	s6 =	simm.s32 $0x108;
	_ =	swait.ge @!p0 [sflag:s8], $0x0  }
0x24: {  	s3 =	sadd.s32 $0x88, s3;
	s6 =	simm.s32 @!p1 $0x1082;
	[sflag:s4] =	ssyncset.s32 $0xFFFFF086  }
0x25: {  	[simem:s6], [sflag:s4] =	dma.local [hbm:s3], $0xF7A  }
0x26: {  	[smem:$0x3F94] =	sst s1;
	(tag) =	ssettag s2;
	_ =	strace s9  }
0x27: {  	s1 =	sld [smem:$0x3FA4]  }
0x28: {  	s2 =	sld [smem:$0x3FA5]  }
0x29: {  	s4 =	sld [smem:$0x3FA7]  }
0x2a: {  	p0 =	seq.s32 s5, $0x0;
	s5 =	sld [smem:$0x3FA8]  }
0x2b: {  	s6 =	sld [smem:$0x3FA9]  }
0x2c: {  	s7 =	sld [smem:$0x3FAA]  }
0x2d: {  	s3 =	simm.s32 $0x108;
	s8 =	sld [smem:$0x3FAB]  }
0x2e: {  	s3 =	simm.s32 @!p0 $0x1082;
	s9 =	sld [smem:$0x3FAC]  }
0x2f: {  	lr =	sadd.s32 s0, s3;
	s0 =	sld [smem:$0x3FA3]  }
0x30: {  	s3 =	sld [smem:$0x3FA6]  }
0x31: {  	[smem:$0x3FAF] =	sst s10  }
0x32: {  	s10 =	sld [smem:$0x3FAD];
	_ =	sdelay $0x3  }
0x33: {  	p0 =	seq.s32 s10, $0x1;
	s10 =	sld [smem:$0x3FAF];
	_ =	sdelay $0x3  }
0x34: {  	[smem:$0x3FAF] =	sst s10  }
0x35: {  	s10 =	sld [smem:$0x3FAE];
	_ =	sdelay $0x3  }
0x36: {  	p1 =	seq.s32 s10, $0x1;
	s10 =	sld [smem:$0x3FAF];
	_ =	sdelay $0x3  }
0x37: {  	[smem:$0x3FAF] =	sst s10  }
0x38: {  	s10 =	sld [smem:$0x3FB0]  }
0x39: {  	_ = 	snop;
	(pc) =	sbr.ind lr, $3  }
0x3a: {  	_ = 	snop  }
0x3b: {  	_ = 	snop  }
0x3c: {  	p2 =	seq.s32 s10, $0x1;
	s10 =	sld [smem:$0x3FAF]  }
0x3d: {  	_ =	shalt  }
0x3e: {  	_ =	shalt  }
0x3f: {  	_ =	shalt  }
0x40: {  	_ =	shalt  }
0x41: {  	_ =	shalt  }
0x42: {  	_ =	shalt  }
0x43: {  	_ =	shalt  }
0x44: {  	_ =	shalt  }
0x45: {  	_ =	shalt  }
0x46: {  	_ =	shalt  }
0x47: {  	_ =	shalt  }
0x48: {  	_ =	shalt  }
0x49: {  	_ =	shalt  }
0x4a: {  	_ =	shalt  }
0x4b: {  	_ =	shalt  }
0x4c: {  	_ =	shalt  }
0x4d: {  	_ =	shalt  }
0x4e: {  	_ =	shalt  }
0x4f: {  	_ =	shalt  }
0x50: {  	_ =	shalt  }
0x51: {  	_ =	shalt  }
0x52: {  	_ =	shalt  }
0x53: {  	_ =	shalt  }
0x54: {  	_ =	shalt  }
0x55: {  	_ =	shalt  }
0x56: {  	_ =	shalt  }
0x57: {  	_ =	shalt  }
0x58: {  	_ =	shalt  }
0x59: {  	_ =	shalt  }
0x5a: {  	_ =	shalt  }
0x5b: {  	_ =	shalt  }
0x5c: {  	_ =	shalt  }
0x5d: {  	_ =	shalt  }
0x5e: {  	_ =	shalt  }
0x5f: {  	_ =	shalt  }
0x60: {  	_ =	shalt  }
0x61: {  	_ =	shalt  }
0x62: {  	_ =	shalt  }
0x63: {  	_ =	shalt  }
0x64: {  	_ =	shalt  }
0x65: {  	_ =	shalt  }
0x66: {  	_ =	shalt  }
0x67: {  	_ =	shalt  }
0x68: {  	_ =	shalt  }
0x69: {  	_ =	shalt  }
0x6a: {  	_ =	shalt  }
0x6b: {  	_ =	shalt  }
0x6c: {  	_ =	shalt  }
0x6d: {  	_ =	shalt  }
0x6e: {  	_ =	shalt  }
0x6f: {  	_ =	shalt  }
0x70: {  	_ =	shalt  }
0x71: {  	_ =	shalt  }
0x72: {  	_ =	shalt  }
0x73: {  	_ =	shalt  }
0x74: {  	_ =	shalt  }
0x75: {  	_ =	shalt  }
0x76: {  	_ =	shalt  }
0x77: {  	_ =	shalt  }
0x78: {  	_ =	shalt  }
0x79: {  	_ =	shalt  }
0x7a: {  	_ =	shalt  }
0x7b: {  	_ =	shalt  }
0x7c: {  	_ =	shalt  }
0x7d: {  	_ =	shalt  }
0x7e: {  	_ =	shalt  }
0x7f: {  	_ =	shalt  }
0x80: {  	_ =	shalt  }
0x81: {  	_ =	shalt  }
0x82: {  	_ =	shalt  }
0x83: {  	_ =	shalt  }
0x84: {  	_ =	shalt  }
0x85: {  	_ =	shalt  }
0x86: {  	_ =	shalt  }
0x87: {  	_ =	shalt  }
.Lfunc_end0:
.L_simem_size_0:
called_computation_lowered:
.L_overlay_start_0:
0x88: {  	s0 =	sld [smem:$0x3FD9]  }
0x89: {  	s1 =	sld [smem:$0x3FFE];
	_ =	sdelay $0x3  }
0x8a: {  	s0 =	sadd.s32 s1, s0  }
0x8b: {  	[smem:$0x3FBB] =	sst s0  }
0x8c: {  	_ = 	snop  }
0x8d: {  	s0 =	sld [smem:$0x3FC8]  }
0x8e: {  	s16 =	sld [smem:$0x3FC7];
	(tm) =	ssettm $0x1  }
0x8f: {  	s2 =	sld [smem:$0x3FFB];
	_ =	sdelay $0x3  }
0x90: {  	_ =	strace s2  }
0x91: {  	s2 =	sld [smem:$0x3FFC];
	_ =	sdelay $0x3  }
0x92: {  	_ =	strace s2  }
0x93: {  	s2 =	sld [smem:$0x3FFD];
	_ =	sdelay $0x3  }
0x94: {  	_ =	strace s2  }
0x95: {  	_ =	strace $0x8FFFFFFF  }
0x96: {  	s17 =	sld [smem:$0x3FDB];
	_ =	sdelay $0x1  }
0x97: {  	s3 =	simm.s32 $_scs_section_size  }
0x98: {  	s4 =	simm.s32 $_size__tile_overlayer_lowered;
	s5 =	simm.s32 $_tile_overlayer_lowered  }
0x99: {  	s20 =	simm.s32 $0x1BFF;
	s19 =	sshll.u32 s5, $0x1;
	s2 =	sadd.s32 s3, s17  }
0x9a: {  	s6 =	simm.s32 $0x0;
	s18 =	sshll.u32 s4, $0x1;
	s4 =	sadd.s32 s19, s2  }
0x9b: {  	[timem:s6], [sflag:s20] =	dma.local [hbm:s4], s18  }
0x9c: {  	_ =	swait.ge [sflag:s20], s18  }
0x9d: {  	s3 =	ssub.s32 $0x0, s18;
	[sflag:s20] =	ssyncset.done $0x0  }
0x9e: {  	[sflag:s20] =	ssyncadd.s32 s3;
	_ =	sdelay $0x1  }
0x9f: {  	s21 =	simm.s32 $0x1B8B  }
0xa0: {  	_ =	swait.ge [sflag:s21], $0x1  }
0xa1: {  	[sflag:s21] =	ssyncset.done $0x0  }
0xa2: {  	s23 =	simm.s32 $0x1B8E;
	s22 =	sld [smem:$0x3FFE];
	[sflag:s21] =	ssyncadd.s32 $0xFFFFFFFF  }
0xa3: {  	s24 =	simm.s32 $execute0_lowered;
	[smem:$0x3FD2] =	sst s23  }
0xa4: {  	s4 =	sshll.u32 s24, $0x1;
	_ =	strace $0x80000046;
	[dreg:$0x1] =	wrdreg $0xFFFFFFFF  }
0xa5: {  	s25 =	simm.s32 $_size_execute0_lowered;
	s2 =	sadd.s32 s2, s4;
	[dreg:$0x0] =	wrdreg $0x0  }
0xa6: {  	s4 =	sshll.u32 s25, $0x1;
	[dreg:$0x2] =	wrdreg s2  }
0xa7: {  	[dreg:$0x3] =	wrdreg s4  }
0xa8: {  	[dreg:$0x4] =	wrdreg $0xC0  }
0xa9: {  	_ =	task [dreg:s6], $0x5FFFF  }
0xaa: {  	[dreg:$0x1] =	wrdreg $0xFFFFFFFF  }
0xab: {  	[dreg:$0x0] =	wrdreg $0x60  }
0xac: {  	[dreg:$0x2] =	wrdreg s0  }
0xad: {  	[dreg:$0x3] =	wrdreg s16  }
0xae: {  	[dreg:$0x4] =	wrdreg s22  }
0xaf: {  	[dreg:$0x5] =	wrdreg $0x9  }
0xb0: {  	_ =	task.clear_ibuf [dreg:s6], $0x6FFFF;
	_ =	strace $0x90000046  }
0xb1: {  	s26 =	simm.s32 $0x9;
	_ =	strace $0x80000048  }
0xb2: {  	_ =	swait.ge [sflag:s26], $0x1  }
0xb3: {  	[sflag:s26] =	ssyncadd.s32 $0xFFFFFFFF  }
0xb4: {  	_ =	strace $0x90000048  }
0xb5: {  	_ =	sfence  }
0xb6: {  	s28 =	sld [smem:$0x0];
	_ =	sdelay $0x1  }
0xb7: {  	s29 =	srdreg.scid  }
0xb8: {  	s30 =	sshll.u32 s29, $0xD;
	s31 =	sshrl.u32 s29, $0x2  }
0xb9: {  	s1 =	sand.u32 $0x1, s29;
	s2 =	sand.u32 $0x4000, s30;
	s0 =	sadd.s32 s31, s28  }
0xba: {  	s1 =	sor.u32 s2, s1;
	s0 =	sshll.u32 s0, $0x11  }
0xbb: {  	s0 =	sor.u32 s0, s1  }
0xbc: {  	s0 =	sadd.s32 $0x8F2B, s0  }
0xbd: {  	[sflag:s0] =	ssyncadd.remote.s32 $0x1  }
0xbe: {  	_ =	sfence.sel $0xFFFF  }
0xbf: {  	[dreg:$0x0] =	wrdreg $0xFFFFFFFF;
	(pc) =	sbr.abs _section_cstart, $3  }
0xc0: {  	[dreg:$0x1] =	wrdreg $0xFFFFFFFF  }
0xc1: {  	_ =	task.clear_ibuf [dreg:s6], $0x2FFFF;
	_ =	strace $0x9FFFFFFF  }
0xc2: {  	(tm) =	ssettm $0x7FFFFFFF  }
0xc3: {  	_ =	shalt  }
tec
execute0_lowered:
.L_overlay_start_1:
0x0: {  	(tag) =	ssettag $0x1  }
0x1: {  	s4 =	stileid.u32  }
0x2: {  	p0 =	sne.s32 s4, $0x0  }
.Ltmp0:
0x3: {  	_ = 	snop;
	(pc) =	sbr.rel @p0 .LBB2_4-.Ltmp0, $4  }
0x4: {  	s1 =	rddreg [dreg:$0x0]  }
0x5: {  	s3 =	rddreg [dreg:$0x1]  }
0x6: {  	s2 =	rddreg [dreg:$0x2]  }
0x7: {  	s0 =	rddreg [dreg:$0x3];
	_ =	strace $0x80000047  }
0x8: {  	s4 =	simm.s32 $0x0  }
0x9: {  	[tilespmem:s4], [sflag:$0x1] =	stream.linear.gather [hbm4b:s1+s4], $0x300, $0x38;
	[tilespmem:$0x1080] =	vst v63  }
0xa: {  	s1 =	simm.s32 $0x300  }
0xb: {  	v0 =	vimm.f32 $0.0e+00;
	[tilespmem:s1], [sflag:$0x1] =	stream.linear.gather [hbm4b:s3+s4], $0x180, $0x38;
	[tilespmem:$0x1080] =	vst v63  }
0xc: {  	[tilespmem:$0x480] =	vst v0  }
0xd: {  	[tilespmem:$0x490] =	vst v0  }
0xe: {  	[tilespmem:$0x500] =	vst v0  }
0xf: {  	[tilespmem:$0x510] =	vst v0  }
0x10: {  	[tilespmem:$0x580] =	vst v0  }
0x11: {  	[tilespmem:$0x590] =	vst v0  }
0x12: {  	[tilespmem:$0x600] =	vst v0  }
0x13: {  	[tilespmem:$0x610] =	vst v0  }
0x14: {  	[tilespmem:$0x680] =	vst v0  }
0x15: {  	[tilespmem:$0x690] =	vst v0  }
0x16: {  	[tilespmem:$0x700] =	vst v0  }
0x17: {  	[tilespmem:$0x710] =	vst v0  }
0x18: {  	[tilespmem:$0x780] =	vst v0  }
0x19: {  	[tilespmem:$0x790] =	vst v0  }
0x1a: {  	[tilespmem:$0x800] =	vst v0  }
0x1b: {  	[tilespmem:$0x810] =	vst v0  }
0x1c: {  	[tilespmem:$0x880] =	vst v0  }
0x1d: {  	[tilespmem:$0x890] =	vst v0  }
0x1e: {  	[tilespmem:$0x900] =	vst v0  }
0x1f: {  	[tilespmem:$0x910] =	vst v0  }
0x20: {  	[tilespmem:$0x980] =	vst v0  }
0x21: {  	[tilespmem:$0x990] =	vst v0  }
0x22: {  	[tilespmem:$0xA00] =	vst v0  }
0x23: {  	[tilespmem:$0xA10] =	vst v0  }
0x24: {  	[tilespmem:$0xA80] =	vst v0  }
0x25: {  	[tilespmem:$0xA90] =	vst v0  }
0x26: {  	[tilespmem:$0xB00] =	vst v0  }
0x27: {  	[tilespmem:$0xB10] =	vst v0  }
0x28: {  	[tilespmem:$0xB80] =	vst v0  }
0x29: {  	[tilespmem:$0xB90] =	vst v0  }
0x2a: {  	[tilespmem:$0xC00] =	vst v0  }
0x2b: {  	[tilespmem:$0xC10] =	vst v0  }
0x2c: {  	[tilespmem:$0xC80] =	vst v0  }
0x2d: {  	[tilespmem:$0xC90] =	vst v0  }
0x2e: {  	[tilespmem:$0xD00] =	vst v0  }
0x2f: {  	[tilespmem:$0xD10] =	vst v0  }
0x30: {  	[tilespmem:$0xD80] =	vst v0  }
0x31: {  	s29 =	simm.s32 $0x1;
	[tilespmem:$0xD90] =	vst v0  }
0x32: {  	_ =	swait.ge [sflag:s29], $0x300  }
0x33: {  	[sflag:s29] =	ssyncset.done $0x0  }
0x34: {  	[sflag:s29] =	ssyncadd.s32 $0xFFFFFD00  }
0x35: {  	_ =	swait.ge [sflag:s29], $0x180  }
0x36: {  	s5 =	sand.u32 $0x70, s4;
	s4 =	sand.u32 $0x300, s4;
	[sflag:s29] =	ssyncset.done $0x0  }
0x37: {  	s30 =	sor.u32 s5, s4;
	[sflag:s29] =	ssyncadd.s32 $0xFFFFFE80  }
0x38: {  	v62 =	vld [tilespmem:s30+$0x80]  }
0x39: {  	v1 =	vld [tilespmem:s30+$0x0];
	_ =	sdelay $0x4  }
0x3a: {  	v2 =	vand.u32 $0xFFFFFF80, v1;
	v0 =	vshll.u32 v62, $0x7  }
0x3b: {  	v1 =	vand.u32 $0x7F, v1;
	v0 =	vadd.s32 v2, v0  }
0x3c: {  	v63 =	vld [tilespmem:s1+$0x0];
	v0 =	vor.u32 v1, v0;
	_ =	sdelay $0x2  }
0x3d: {  	s31 =	simm.s32 $0x10;
	s4 =	simm.s32 $0x20  }
0x3e: {  	s3 =	simm.s32 $0x480;
	s5 =	sand.u32 $0x70, s31;
	s6 =	sand.u32 $0x300, s4  }
0x3f: {  	s2 =	sadd.s32 $0x1400, s2;
	s6 =	sor.u32 s5, s6;
	s5 =	simm.s32 $0x20;
	[tilespmem:v0+s3+$0x0] =	vst.idx.add.f32.msk $0xffff, v63  }
.LBB2_2:
0x40: {  	p1 =	sne.s32 s5, $0x140;
	v0 =	vld [tilespmem:s6+$0x80]  }
0x41: {  	v1 =	vld [tilespmem:s6+$0x0];
	_ =	sdelay $0x4  }
0x42: {  	v0 =	vshll.u32 v0, $0x7;
	v2 =	vand.u32 $0xFFFFFF80, v1  }
0x43: {  	s1 =	sadd.s32 $0x10, s1;
	v1 =	vand.u32 $0x7F, v1;
	v0 =	vadd.s32 v2, v0  }
0x44: {  	v2 =	vld [tilespmem:s1+$0x0];
	v0 =	vor.u32 v1, v0  }
.Ltmp1:
0x45: {  	(pc) =	sbr.rel @p1 .LBB2_2-.Ltmp1, $4  }
0x46: {  	_ = 	snop  }
0x47: {  	s4 =	sadd.s32 $0x20, s4  }
0x48: {  	s6 =	sand.u32 $0x70, s5;
	s7 =	sand.u32 $0x300, s4  }
0x49: {  	s5 =	sadd.s32 $0x10, s5;
	s6 =	sor.u32 s6, s7;
	[tilespmem:v0+s3+$0x0] =	vst.idx.add.f32.msk $0xffff, v2  }
0x4a: {  	v0 =	vld [tilespmem:s6+$0x80]  }
0x4b: {  	v1 =	vld [tilespmem:s6+$0x0];
	_ =	sdelay $0x4  }
0x4c: {  	v2 =	vand.u32 $0xFFFFFF80, v1;
	v0 =	vshll.u32 v0, $0x7  }
0x4d: {  	s1 =	sadd.s32 $0x10, s1;
	v1 =	vand.u32 $0x7F, v1;
	v0 =	vadd.s32 v2, v0  }
0x4e: {  	v60 =	vld [tilespmem:s1+$0x0];
	v0 =	vor.u32 v1, v0;
	_ =	sdelay $0x4  }
0x4f: {  	[tilespmem:v0+s3+$0x0] =	vst.idx.add.f32.msk $0xffff, v60  }
0x50: {  	v0 =	vld [tilespmem:$0x246]  }
0x51: {  	v61 =	vld [tilespmem:$0x2C6];
	_ =	sdelay $0x4  }
0x52: {  	v62 =	vand.u32 $0xFFFFFF80, v0;
	v1 =	vshll.u32 v61, $0x7  }
0x53: {  	vm0 =	vcmask $0x3F28;
	v0 =	vand.u32 $0x7F, v0;
	v1 =	vadd.s32 v62, v1  }
0x54: {  	v63 =	vld [tilespmem:$0x446];
	v0 =	vor.u32 v0, v1;
	_ =	sdelay $0x3  }
0x55: {  	s29 =	simm.s32 $0x480  }
0x56: {  	s30 =	simm.s32 $0x0;
	s31 =	simm.s32 $0x2;
	[tilespmem:v0+s29+$0x0] =	vst.idx.add.f32.msk vm0, v63  }
0x57: {  	[hbm4b:s2+s30] =	stream.linear.scatter [tilespmem:s29], [sflag:$0x2], $0x980, $0x38;
	[tilespmem:$0x1080] =	vst v63  }
0x58: {  	_ =	swait.ge [sflag:s31], $0x980  }
0x59: {  	[sflag:s31] =	ssyncset.done $0x0  }
0x5a: {  	[sflag:s31] =	ssyncadd.s32 $0xFFFFF680  }
.LBB2_4:
0x5b: {  	_ =	sfence.sel $0x180000  }
0x5c: {  	[bflag:$0x0] =	sbarrier.arrive $0xFFFF  }
0x5d: {  	_ =	strace $0x90000047  }
0x5e: {  	s0 =	sadd.s32 @!p0 $0x100000, s0;
	[bflag:$0x2] =	sbarrier.arrive $0xFFFF  }
0x5f: {  	[sflag:s0] =	ssyncadd.tile.s32 @!p0 $0x1;
	_ =	shalt  }
.Lfunc_end2:
_tile_overlayer_lowered:
.L_overlay_start_2:
0x60: {  	(tag) =	ssettag $0x2  }
0x61: {  	s0 =	rddreg [dreg:$0x0];
	s2 =	stileid.u32  }
0x62: {  	s1 =	rddreg [dreg:$0x1];
	p0 =	sne.s32 s2, $0x0  }
0x63: {  	s3 =	rddreg [dreg:$0x2];
	[bflag:$0x3] =	sbarrier.arrive $0xFFFF;
	s2 =	simm.s32 @!p0 $0x1C02  }
0x64: {  	[timem:s3], [sflag:s2] =	dma.local @!p0 [hbm:s0], s1  }
0x65: {  	s0 =	simm.s32 @!p0 $0x2  }
0x66: {  	_ =	swait.ge @!p0 [sflag:s0], s1  }
0x67: {  	s1 =	ssub.s32 @!p0 $0x0, s1;
	[sflag:s0] =	ssyncset.done @!p0 $0x0  }
0x68: {  	[sflag:s0] =	ssyncadd.s32 @!p0 s1  }
0x69: {  	[bflag:$0x3] =	sbarrier.arrive $0xFFFF  }
0x6a: {  	_ =	shalt  }

</sc_bundles>
